<compile_context>
chip_gen: v7x
topology: tpu7x:2x2x1
jax: 0.10.2.dev20260603
libtpu: 0.0.44.dev20260713+nightly
codegen_flags: <defaults>
</compile_context>

<pallas_src>
import functools

import jax
import jax.numpy as jnp
from jax import lax
from jax.experimental import pallas as pl
from jax.experimental.pallas import tpu as pltpu
from jax.experimental.pallas import tpu_sc as plsc

_LANES = 16
_G = 128


@functools.lru_cache(maxsize=None)
def _make_sc_embed(batch: int):
    info = plsc.get_sparse_core_info()
    nc, ns = info.num_cores, info.num_subcores
    nw = nc * ns
    assert batch % (nw * _G) == 0
    groups_per_w = batch // (nw * _G)
    x_per_w = groups_per_w * 2 * _G
    o_per_w = groups_per_w * 4 * _G

    mesh = plsc.VectorSubcoreMesh(core_axis_name="c", subcore_axis_name="s")

    @functools.partial(
        pl.kernel,
        out_type=jax.ShapeDtypeStruct((batch // _G * 4 * _G,), jnp.float32),
        mesh=mesh,
        scratch_types=[
            pltpu.VMEM((x_per_w,), jnp.int32),
            pltpu.VMEM((2, 4), jnp.float32),
            pltpu.VMEM((2,), jnp.float32),
            pltpu.VMEM((o_per_w,), jnp.float32),
            pltpu.SemaphoreType.DMA,
            pltpu.SemaphoreType.DMA,
            pltpu.SemaphoreType.DMA,
        ],
        compiler_params=pltpu.CompilerParams(needs_layout_passes=False),
    )
    def sc_embed(x_hbm, ws_hbm, wy_hbm, out_hbm, x_v, ws_v, wy_v, out_v,
                 sem_x, sem_s, sem_y):
        wid = lax.axis_index("s") * nc + lax.axis_index("c")
        cp_x = pltpu.async_copy(
            x_hbm.at[pl.ds(wid * x_per_w, x_per_w)], x_v, sem_x)
        cp_s = pltpu.async_copy(ws_hbm, ws_v, sem_s)
        cp_y = pltpu.async_copy(wy_hbm, wy_v, sem_y)
        cp_s.wait()
        cp_y.wait()
        cp_x.wait()
        col0 = jnp.zeros((_LANES,), jnp.int32)
        col1 = col0 + 1
        chunks = _G // _LANES

        @plsc.parallel_loop(0, groups_per_w * chunks, unroll=2)
        def _(i):
            gl = i // chunks
            r = (i % chunks) * _LANES
            xo = gl * 2 * _G + r
            x0 = x_v[pl.ds(xo, _LANES)]
            x1 = x_v[pl.ds(xo + _G, _LANES)]
            c0 = plsc.load_gather(ws_v, [col0, x0])
            c1 = plsc.load_gather(ws_v, [col1, x0])
            c2 = plsc.load_gather(wy_v, [x1])
            o = gl * 4 * _G + r
            out_v[pl.ds(o, _LANES)] = c0
            out_v[pl.ds(o + _G, _LANES)] = c1
            out_v[pl.ds(o + 2 * _G, _LANES)] = c2
        pltpu.sync_copy(out_v, out_hbm.at[pl.ds(wid * o_per_w, o_per_w)])

    return sc_embed


def kernel(x, W_y, W_s):
    batch = x.shape[0]
    ng = batch // _G
    x_flat = (
        x.astype(jnp.int32).reshape(ng, _G, 2).swapaxes(1, 2).reshape(-1)
    )
    ws_t = W_s.astype(jnp.float32).T
    wy_flat = W_y.astype(jnp.float32).reshape(-1)
    out_flat = _make_sc_embed(batch)(x_flat, ws_t, wy_flat)
    out4 = out_flat.reshape(ng, 4, _G).swapaxes(1, 2).reshape(batch, 4)
    return out4[:, :3]

# --- scband reference (transcript-rebuilt; emitter-appended) ---
"""Pipeline reference for scband-hate-speech-embedding-ys-4810363372842 (READ-ONLY COPY).

The authoritative reference and input builder live on the scoring server;
editing this copy changes nothing except your own understanding.
"""

import jax, jax.numpy as jnp
import numpy as np


def setup_inputs(seed: int = 0) -> dict:
    key = jax.random.key(seed)
    k1, k2, k3 = jax.random.split(key, 3)
    # indices: int[B, 2]; col 0 indexes embedd_s (4 rows), col 1 indexes embedd_y (2 rows)
    x = jax.random.randint(k1, (16384, 2), 0, 2)
    # learned parameters, matching nn.Embedding default init (N(0, 1))
    W_y = jax.random.normal(k2, (2, 1), dtype=jnp.float32)  # embedd_y.weight
    W_s = jax.random.normal(k3, (4, 2), dtype=jnp.float32)  # embedd_s.weight
    return {"x": x, "W_y": W_y, "W_s": W_s}


def reference(x, W_y, W_s):
    # x0 = embedd_s(x[:, 0]) -> [B, 2]
    x0 = jnp.take(W_s, x[:, 0], axis=0)
    # x1 = embedd_y(x[:, 1]) -> [B, 1]
    x1 = jnp.take(W_y, x[:, 1], axis=0)
    embedded = jnp.concatenate((x0, x1), axis=1).astype(jnp.float32)
    return embedded

if __name__ == "__main__":
    import jax
    _d = setup_inputs()
    print(jax.jit(kernel)(*tuple(_d.values())))

</pallas_src>

<mosaic_0001>
#map = affine_map<(d0, d1) -> (0)>
#map1 = affine_map<(d0, d1) -> (0, 0)>
module attributes {stable_mosaic.version = 14 : i64} {
  func.func @sc_embed(%arg0: i32, %arg1: i32, %arg2: memref<32768xi32, #tpu.memory_space<hbm>>, %arg3: memref<2x4xf32, #tpu.memory_space<hbm>>, %arg4: memref<2xf32, #tpu.memory_space<hbm>>, %arg5: memref<65536xf32, #tpu.memory_space<hbm>>, %arg6: memref<1024xi32, #tpu.memory_space<vmem>>, %arg7: memref<2x4xf32, #tpu.memory_space<vmem>>, %arg8: memref<2xf32, #tpu.memory_space<vmem>>, %arg9: memref<2048xf32, #tpu.memory_space<vmem>>, %arg10: memref<!tpu.dma_semaphore, #tpu.memory_space<semaphore_mem>>, %arg11: memref<!tpu.dma_semaphore, #tpu.memory_space<semaphore_mem>>, %arg12: memref<!tpu.dma_semaphore, #tpu.memory_space<semaphore_mem>>) attributes {dimension_semantics = [#tpu.dimension_semantics<core_parallel>, #tpu.dimension_semantics<subcore_parallel>], iteration_bounds = array<i64: 2, 16>, scalar_prefetch = 0 : i64, scratch_operands = 7 : i64, tpu.core_type = #tpu.core_type<sc_vector_subcore>, window_params = [{transform_indices = #map}, {transform_indices = #map1}, {transform_indices = #map}, {transform_indices = #map}]} {
    %mul3A = arith.constant 2 : i32
    %mul3A_0 = arith.muli %arg1, %mul3A : i32
    %add3A = arith.addi %mul3A_0, %arg0 : i32
    %mul3A_1 = arith.constant 1024 : i32
    %mul3A_2 = arith.muli %add3A, %mul3A_1 : i32
    %dma_start3A = tpu.memref_slice %arg2[%mul3A_2] : memref<32768xi32, #tpu.memory_space<hbm>> -> memref<1024xi32, #tpu.memory_space<hbm>>
    %dma_start3A_3 = tpu.memref_slice %arg2[%mul3A_2] : memref<32768xi32, #tpu.memory_space<hbm>> -> memref<1024xi32, #tpu.memory_space<hbm>>
    tpu.enqueue_dma source(%dma_start3A_3 : memref<1024xi32, #tpu.memory_space<hbm>>) target(%arg6 : memref<1024xi32, #tpu.memory_space<vmem>>) target_semaphore(%arg10 : memref<!tpu.dma_semaphore, #tpu.memory_space<semaphore_mem>>)
    tpu.enqueue_dma source(%arg3 : memref<2x4xf32, #tpu.memory_space<hbm>>) target(%arg7 : memref<2x4xf32, #tpu.memory_space<vmem>>) target_semaphore(%arg11 : memref<!tpu.dma_semaphore, #tpu.memory_space<semaphore_mem>>)
    tpu.enqueue_dma source(%arg4 : memref<2xf32, #tpu.memory_space<hbm>>) target(%arg8 : memref<2xf32, #tpu.memory_space<vmem>>) target_semaphore(%arg12 : memref<!tpu.dma_semaphore, #tpu.memory_space<semaphore_mem>>)
    tpu.wait_dma2 semaphore(%arg11 : memref<!tpu.dma_semaphore, #tpu.memory_space<semaphore_mem>>) src(%arg3 : memref<2x4xf32, #tpu.memory_space<hbm>>) dst(%arg7 : memref<2x4xf32, #tpu.memory_space<vmem>>)
    tpu.wait_dma2 semaphore(%arg12 : memref<!tpu.dma_semaphore, #tpu.memory_space<semaphore_mem>>) src(%arg4 : memref<2xf32, #tpu.memory_space<hbm>>) dst(%arg8 : memref<2xf32, #tpu.memory_space<vmem>>)
    %dma_wait3A = tpu.memref_slice %arg2[%mul3A_2] : memref<32768xi32, #tpu.memory_space<hbm>> -> memref<1024xi32, #tpu.memory_space<hbm>>
    %dma_wait3A_4 = tpu.memref_slice %arg2[%mul3A_2] : memref<32768xi32, #tpu.memory_space<hbm>> -> memref<1024xi32, #tpu.memory_space<hbm>>
    tpu.wait_dma2 semaphore(%arg10 : memref<!tpu.dma_semaphore, #tpu.memory_space<semaphore_mem>>) src(%dma_wait3A_4 : memref<1024xi32, #tpu.memory_space<hbm>>) dst(%arg6 : memref<1024xi32, #tpu.memory_space<vmem>>)
    %broadcast_in_dim3A = arith.constant 0 : i32
    %broadcast_in_dim3A_5 = vector.broadcast %broadcast_in_dim3A : i32 to vector<16xi32>
    %add3A_6 = arith.constant 1 : i32
    %add3A_7 = vector.broadcast %add3A_6 : i32 to vector<16xi32>
    %add3A_8 = arith.addi %broadcast_in_dim3A_5, %add3A_7 : vector<16xi32>
    %parallel_loop3A = arith.constant 0 : i32
    %parallel_loop3A_9 = arith.constant 32 : i32
    %parallel_loop3A_10 = arith.constant 1 : i32
    scf.for %parallel_loop3A_13 = %parallel_loop3A to %parallel_loop3A_9 step %parallel_loop3A_10  : i32 {
      %parallel_loop3A_14 = arith.constant 8 : i32
      %parallel_loop3A_15 = arith.divsi %parallel_loop3A_13, %parallel_loop3A_14 : i32
      %parallel_loop3A_16 = arith.constant 0 : i32
      %parallel_loop3A_17 = arith.cmpi sgt, %parallel_loop3A_13, %parallel_loop3A_16 : i32
      %parallel_loop3A_18 = arith.extui %parallel_loop3A_17 : i1 to i32
      %parallel_loop3A_19 = arith.constant 0 : i32
      %parallel_loop3A_20 = arith.cmpi slt, %parallel_loop3A_13, %parallel_loop3A_19 : i32
      %parallel_loop3A_21 = arith.extui %parallel_loop3A_20 : i1 to i32
      %parallel_loop3A_22 = arith.subi %parallel_loop3A_18, %parallel_loop3A_21 : i32
      %parallel_loop3A_23 = arith.constant 0 : i32
      %parallel_loop3A_24 = arith.cmpi sgt, %parallel_loop3A_14, %parallel_loop3A_23 : i32
      %parallel_loop3A_25 = arith.extui %parallel_loop3A_24 : i1 to i32
      %parallel_loop3A_26 = arith.constant 0 : i32
      %parallel_loop3A_27 = arith.cmpi slt, %parallel_loop3A_14, %parallel_loop3A_26 : i32
      %parallel_loop3A_28 = arith.extui %parallel_loop3A_27 : i1 to i32
      %parallel_loop3A_29 = arith.subi %parallel_loop3A_25, %parallel_loop3A_28 : i32
      %parallel_loop3A_30 = arith.cmpi ne, %parallel_loop3A_22, %parallel_loop3A_29 : i32
      %parallel_loop3A_31 = arith.remsi %parallel_loop3A_13, %parallel_loop3A_14 : i32
      %parallel_loop3A_32 = arith.constant 0 : i32
      %parallel_loop3A_33 = arith.cmpi ne, %parallel_loop3A_31, %parallel_loop3A_32 : i32
      %parallel_loop3A_34 = arith.andi %parallel_loop3A_30, %parallel_loop3A_33 : i1
      %parallel_loop3A_35 = arith.constant 1 : i32
      %parallel_loop3A_36 = arith.subi %parallel_loop3A_15, %parallel_loop3A_35 : i32
      %parallel_loop3A_37 = arith.select %parallel_loop3A_34, %parallel_loop3A_36, %parallel_loop3A_15 : i32
      %parallel_loop3A_38 = arith.constant 8 : i32
      %parallel_loop3A_39 = arith.constant 0 : i32
      %parallel_loop3A_40 = arith.cmpi eq, %parallel_loop3A_38, %parallel_loop3A_39 : i32
      %parallel_loop3A_41 = arith.constant 1 : i32
      %parallel_loop3A_42 = arith.select %parallel_loop3A_40, %parallel_loop3A_41, %parallel_loop3A_38 : i32
      %parallel_loop3A_43 = arith.remsi %parallel_loop3A_13, %parallel_loop3A_42 : i32
      %parallel_loop3A_44 = arith.constant 0 : i32
      %parallel_loop3A_45 = arith.cmpi ne, %parallel_loop3A_43, %parallel_loop3A_44 : i32
      %parallel_loop3A_46 = arith.constant 0 : i32
      %parallel_loop3A_47 = arith.cmpi slt, %parallel_loop3A_43, %parallel_loop3A_46 : i32
      %parallel_loop3A_48 = arith.constant 0 : i32
      %parallel_loop3A_49 = arith.cmpi slt, %parallel_loop3A_42, %parallel_loop3A_48 : i32
      %parallel_loop3A_50 = arith.xori %parallel_loop3A_47, %parallel_loop3A_49 : i1
      %parallel_loop3A_51 = arith.andi %parallel_loop3A_50, %parallel_loop3A_45 : i1
      %parallel_loop3A_52 = arith.addi %parallel_loop3A_43, %parallel_loop3A_42 : i32
      %parallel_loop3A_53 = arith.select %parallel_loop3A_51, %parallel_loop3A_52, %parallel_loop3A_43 : i32
      %parallel_loop3A_54 = arith.constant 16 : i32
      %parallel_loop3A_55 = arith.muli %parallel_loop3A_53, %parallel_loop3A_54 : i32
      %parallel_loop3A_56 = arith.constant 2 : i32
      %parallel_loop3A_57 = arith.muli %parallel_loop3A_37, %parallel_loop3A_56 : i32
      %parallel_loop3A_58 = arith.constant 128 : i32
      %parallel_loop3A_59 = arith.muli %parallel_loop3A_57, %parallel_loop3A_58 : i32
      %parallel_loop3A_60 = arith.addi %parallel_loop3A_59, %parallel_loop3A_55 : i32
      %parallel_loop3A_61 = arith.index_cast %parallel_loop3A_60 : i32 to index
      %parallel_loop3A_62 = tpu.vector_load %arg6[%parallel_loop3A_61] {strides = array<i32>} : memref<1024xi32, #tpu.memory_space<vmem>>, vector<16xi32>,
      %parallel_loop3A_63 = arith.constant 128 : i32
      %parallel_loop3A_64 = arith.addi %parallel_loop3A_60, %parallel_loop3A_63 : i32
      %parallel_loop3A_65 = arith.index_cast %parallel_loop3A_64 : i32 to index
      %parallel_loop3A_66 = tpu.vector_load %arg6[%parallel_loop3A_65] {strides = array<i32>} : memref<1024xi32, #tpu.memory_space<vmem>>, vector<16xi32>,
      %parallel_loop3A_67 = tpu.vector_load_idx %arg7[%broadcast_in_dim3A_5, %parallel_loop3A_62] : memref<2x4xf32, #tpu.memory_space<vmem>>[vector<16xi32>, vector<16xi32>], vector<16xf32>,
      %parallel_loop3A_68 = tpu.vector_load_idx %arg7[%add3A_8, %parallel_loop3A_62] : memref<2x4xf32, #tpu.memory_space<vmem>>[vector<16xi32>, vector<16xi32>], vector<16xf32>,
      %parallel_loop3A_69 = tpu.vector_load_idx %arg8[%parallel_loop3A_66] : memref<2xf32, #tpu.memory_space<vmem>>[vector<16xi32>], vector<16xf32>,
      %parallel_loop3A_70 = arith.constant 4 : i32
      %parallel_loop3A_71 = arith.muli %parallel_loop3A_37, %parallel_loop3A_70 : i32
      %parallel_loop3A_72 = arith.constant 128 : i32
      %parallel_loop3A_73 = arith.muli %parallel_loop3A_71, %parallel_loop3A_72 : i32
      %parallel_loop3A_74 = arith.addi %parallel_loop3A_73, %parallel_loop3A_55 : i32
      %parallel_loop3A_75 = arith.index_cast %parallel_loop3A_74 : i32 to index
      %parallel_loop3A_76 = tpu.vector_load %arg9[%parallel_loop3A_75] {strides = array<i32>} : memref<2048xf32, #tpu.memory_space<vmem>>, vector<16xf32>,
      tpu.vector_store %arg9[%parallel_loop3A_75], %parallel_loop3A_67 {strides = array<i32>} : memref<2048xf32, #tpu.memory_space<vmem>>, vector<16xf32>,
      %parallel_loop3A_77 = arith.constant 128 : i32
      %parallel_loop3A_78 = arith.addi %parallel_loop3A_74, %parallel_loop3A_77 : i32
      %parallel_loop3A_79 = arith.index_cast %parallel_loop3A_78 : i32 to index
      %parallel_loop3A_80 = tpu.vector_load %arg9[%parallel_loop3A_79] {strides = array<i32>} : memref<2048xf32, #tpu.memory_space<vmem>>, vector<16xf32>,
      tpu.vector_store %arg9[%parallel_loop3A_79], %parallel_loop3A_68 {strides = array<i32>} : memref<2048xf32, #tpu.memory_space<vmem>>, vector<16xf32>,
      %parallel_loop3A_81 = arith.constant 256 : i32
      %parallel_loop3A_82 = arith.addi %parallel_loop3A_74, %parallel_loop3A_81 : i32
      %parallel_loop3A_83 = arith.index_cast %parallel_loop3A_82 : i32 to index
      %parallel_loop3A_84 = tpu.vector_load %arg9[%parallel_loop3A_83] {strides = array<i32>} : memref<2048xf32, #tpu.memory_space<vmem>>, vector<16xf32>,
      tpu.vector_store %arg9[%parallel_loop3A_83], %parallel_loop3A_69 {strides = array<i32>} : memref<2048xf32, #tpu.memory_space<vmem>>, vector<16xf32>,
    } {sc.loop_unroll_factor = 2 : i64, sc.parallel_access}
    %mul3A_11 = arith.constant 2048 : i32
    %mul3A_12 = arith.muli %add3A, %mul3A_11 : i32
    "tpu.region"() ({
      %run_scoped3A = tpu.sem_alloc : memref<!tpu.dma_semaphore, #tpu.memory_space<semaphore_mem>>
      %dma_start3A_13 = tpu.memref_slice %arg5[%mul3A_12] : memref<65536xf32, #tpu.memory_space<hbm>> -> memref<2048xf32, #tpu.memory_space<hbm>>
      %dma_start3A_14 = tpu.memref_slice %arg5[%mul3A_12] : memref<65536xf32, #tpu.memory_space<hbm>> -> memref<2048xf32, #tpu.memory_space<hbm>>
      tpu.enqueue_dma source(%arg9 : memref<2048xf32, #tpu.memory_space<vmem>>) target(%dma_start3A_14 : memref<2048xf32, #tpu.memory_space<hbm>>) target_semaphore(%run_scoped3A : memref<!tpu.dma_semaphore, #tpu.memory_space<semaphore_mem>>)
      %dma_wait3A_15 = tpu.memref_slice %arg5[%mul3A_12] : memref<65536xf32, #tpu.memory_space<hbm>> -> memref<2048xf32, #tpu.memory_space<hbm>>
      %dma_wait3A_16 = tpu.memref_slice %arg5[%mul3A_12] : memref<65536xf32, #tpu.memory_space<hbm>> -> memref<2048xf32, #tpu.memory_space<hbm>>
      tpu.wait_dma2 semaphore(%run_scoped3A : memref<!tpu.dma_semaphore, #tpu.memory_space<semaphore_mem>>) src(%arg9 : memref<2048xf32, #tpu.memory_space<vmem>>) dst(%dma_wait3A_16 : memref<2048xf32, #tpu.memory_space<hbm>>)
      tpu.yield
    }) : () -> ()
    return
  }
}

</mosaic_0001>

<sc_bundles>
// kernel: kernel.3.cloned.1.call-start
scs
__scs_entry_jumppad:
0x0: {  	(pc) =	sbr.rel $0x88, $3  }
0x1: {  	(tag) =	ssettag $0x0;
	lr =	simm.s32 $0x1  }
0x2: {  	[smem:$0x3F9E] =	sst lr;
	_ =	strace $0xD0000000  }
0x3: {  	_ = 	snop  }
0x4: {  	_ = 	snop  }
0x5: {  	_ = 	snop  }
0x6: {  	_ = 	snop  }
0x7: {  	_ = 	snop  }
__scs_overlays_trampoline_lowered:
0x8: {  	[smem:$0x3FAD] =	sst s0  }
0x9: {  	[smem:$0x3FAE] =	sst s1  }
0xa: {  	[smem:$0x3FAF] =	sst s2  }
0xb: {  	[smem:$0x3FB0] =	sst s3  }
0xc: {  	[smem:$0x3FB1] =	sst s4  }
0xd: {  	[smem:$0x3FB2] =	sst s5  }
0xe: {  	[smem:$0x3FB3] =	sst s6  }
0xf: {  	[smem:$0x3FB4] =	sst s7  }
0x10: {  	[smem:$0x3FB5] =	sst s8  }
0x11: {  	[smem:$0x3FB6] =	sst s9;
	s0 =	simm.s32 @!p0 $0x0  }
0x12: {  	s1 =	sld [smem:$0x3F9C];
	s0 =	simm.s32 @p0 $0x1  }
0x13: {  	[smem:$0x3FB7] =	sst s0;
	s0 =	simm.s32 @!p1 $0x0  }
0x14: {  	s2 =	sld [smem:$0x3F9B];
	s0 =	simm.s32 @p1 $0x1  }
0x15: {  	[smem:$0x3FB8] =	sst s0;
	s0 =	simm.s32 @!p2 $0x0  }
0x16: {  	s3 =	sld [smem:$0x3FDB];
	s0 =	simm.s32 @p2 $0x1  }
0x17: {  	s4 =	simm.s32 $0x1BF5;
	[smem:$0x3FBA] =	sst s0  }
0x18: {  	s0 =	sld [smem:$0x3F9D];
	_ =	swait.ge [sflag:s4], $0x0  }
0x19: {  	s7 =	sld [smem:$0x3F9E]  }
0x1a: {  	s8 =	sadd.s32 $0xFFFFE003, lr  }
0x1b: {  	s9 =	sadd.s32 $0xFFFFFEF7, lr;
	s5 =	simm.s32 $0xFFFFFFFF;
	p2 =	slt.u32 s8, $0xFFFFF086  }
0x1c: {  	p1 =	slt.u32 s9, $0xF7A;
	s5 =	simm.s32 @!p2 $0x0  }
0x1d: {  	s5 =	simm.s32 @p1 $0x1;
	p0 =	seq.s32 s7, s2  }
0x1e: {  	s7 =	smul.u32 @!p0 $0xF7A, s2;
	p2 =	seq.s32 @!p0 s5, $0x0  }
0x1f: {  	s9 =	smul.u32 $0xF7A, s1;
	s8 =	simm.s32 @!p0 $0x1BF5;
	p2 =	por !p2, p0  }
0x20: {  	[sflag:s8] =	ssyncset.s32 @!p0 $0xFFFFF086;
	s6 =	sadd.s32 @!p0 s3, s7;
	s7 =	simm.s32 @!p0 $0x108  }
0x21: {  	s3 =	sadd.s32 s3, s9;
	s6 =	sadd.s32 @!p0 $0x88, s6;
	s7 =	simm.s32 @p2 $0x1082  }
0x22: {  	[simem:s7], [sflag:s8] =	dma.local @!p0 [hbm:s6], $0xF7A  }
0x23: {  	s9 =	sor.u32 $0xD0000000, s2;
	s6 =	simm.s32 $0x108;
	_ =	swait.ge @!p0 [sflag:s8], $0x0  }
0x24: {  	s3 =	sadd.s32 $0x88, s3;
	s6 =	simm.s32 @!p1 $0x1082;
	[sflag:s4] =	ssyncset.s32 $0xFFFFF086  }
0x25: {  	[simem:s6], [sflag:s4] =	dma.local [hbm:s3], $0xF7A  }
0x26: {  	[smem:$0x3F9E] =	sst s1;
	(tag) =	ssettag s2;
	_ =	strace s9  }
0x27: {  	s1 =	sld [smem:$0x3FAE]  }
0x28: {  	s2 =	sld [smem:$0x3FAF]  }
0x29: {  	s4 =	sld [smem:$0x3FB1]  }
0x2a: {  	p0 =	seq.s32 s5, $0x0;
	s5 =	sld [smem:$0x3FB2]  }
0x2b: {  	s6 =	sld [smem:$0x3FB3]  }
0x2c: {  	s7 =	sld [smem:$0x3FB4]  }
0x2d: {  	s3 =	simm.s32 $0x108;
	s8 =	sld [smem:$0x3FB5]  }
0x2e: {  	s3 =	simm.s32 @!p0 $0x1082;
	s9 =	sld [smem:$0x3FB6]  }
0x2f: {  	lr =	sadd.s32 s0, s3;
	s0 =	sld [smem:$0x3FAD]  }
0x30: {  	s3 =	sld [smem:$0x3FB0]  }
0x31: {  	[smem:$0x3FB9] =	sst s10  }
0x32: {  	s10 =	sld [smem:$0x3FB7];
	_ =	sdelay $0x3  }
0x33: {  	p0 =	seq.s32 s10, $0x1;
	s10 =	sld [smem:$0x3FB9];
	_ =	sdelay $0x3  }
0x34: {  	[smem:$0x3FB9] =	sst s10  }
0x35: {  	s10 =	sld [smem:$0x3FB8];
	_ =	sdelay $0x3  }
0x36: {  	p1 =	seq.s32 s10, $0x1;
	s10 =	sld [smem:$0x3FB9];
	_ =	sdelay $0x3  }
0x37: {  	[smem:$0x3FB9] =	sst s10  }
0x38: {  	s10 =	sld [smem:$0x3FBA]  }
0x39: {  	_ = 	snop;
	(pc) =	sbr.ind lr, $3  }
0x3a: {  	_ = 	snop  }
0x3b: {  	_ = 	snop  }
0x3c: {  	p2 =	seq.s32 s10, $0x1;
	s10 =	sld [smem:$0x3FB9]  }
0x3d: {  	_ =	shalt  }
0x3e: {  	_ =	shalt  }
0x3f: {  	_ =	shalt  }
0x40: {  	_ =	shalt  }
0x41: {  	_ =	shalt  }
0x42: {  	_ =	shalt  }
0x43: {  	_ =	shalt  }
0x44: {  	_ =	shalt  }
0x45: {  	_ =	shalt  }
0x46: {  	_ =	shalt  }
0x47: {  	_ =	shalt  }
0x48: {  	_ =	shalt  }
0x49: {  	_ =	shalt  }
0x4a: {  	_ =	shalt  }
0x4b: {  	_ =	shalt  }
0x4c: {  	_ =	shalt  }
0x4d: {  	_ =	shalt  }
0x4e: {  	_ =	shalt  }
0x4f: {  	_ =	shalt  }
0x50: {  	_ =	shalt  }
0x51: {  	_ =	shalt  }
0x52: {  	_ =	shalt  }
0x53: {  	_ =	shalt  }
0x54: {  	_ =	shalt  }
0x55: {  	_ =	shalt  }
0x56: {  	_ =	shalt  }
0x57: {  	_ =	shalt  }
0x58: {  	_ =	shalt  }
0x59: {  	_ =	shalt  }
0x5a: {  	_ =	shalt  }
0x5b: {  	_ =	shalt  }
0x5c: {  	_ =	shalt  }
0x5d: {  	_ =	shalt  }
0x5e: {  	_ =	shalt  }
0x5f: {  	_ =	shalt  }
0x60: {  	_ =	shalt  }
0x61: {  	_ =	shalt  }
0x62: {  	_ =	shalt  }
0x63: {  	_ =	shalt  }
0x64: {  	_ =	shalt  }
0x65: {  	_ =	shalt  }
0x66: {  	_ =	shalt  }
0x67: {  	_ =	shalt  }
0x68: {  	_ =	shalt  }
0x69: {  	_ =	shalt  }
0x6a: {  	_ =	shalt  }
0x6b: {  	_ =	shalt  }
0x6c: {  	_ =	shalt  }
0x6d: {  	_ =	shalt  }
0x6e: {  	_ =	shalt  }
0x6f: {  	_ =	shalt  }
0x70: {  	_ =	shalt  }
0x71: {  	_ =	shalt  }
0x72: {  	_ =	shalt  }
0x73: {  	_ =	shalt  }
0x74: {  	_ =	shalt  }
0x75: {  	_ =	shalt  }
0x76: {  	_ =	shalt  }
0x77: {  	_ =	shalt  }
0x78: {  	_ =	shalt  }
0x79: {  	_ =	shalt  }
0x7a: {  	_ =	shalt  }
0x7b: {  	_ =	shalt  }
0x7c: {  	_ =	shalt  }
0x7d: {  	_ =	shalt  }
0x7e: {  	_ =	shalt  }
0x7f: {  	_ =	shalt  }
0x80: {  	_ =	shalt  }
0x81: {  	_ =	shalt  }
0x82: {  	_ =	shalt  }
0x83: {  	_ =	shalt  }
0x84: {  	_ =	shalt  }
0x85: {  	_ =	shalt  }
0x86: {  	_ =	shalt  }
0x87: {  	_ =	shalt  }
.Lfunc_end0:
.L_simem_size_0:
called_computation_lowered:
.L_overlay_start_0:
0x88: {  	s2 =	sld [smem:$0x3FD9]  }
0x89: {  	s3 =	sld [smem:$0x3FFE];
	_ =	sdelay $0x1  }
0x8a: {  	s1 =	srdreg.scid  }
0x8b: {  	s0 =	sand.u32 $0x1, s1  }
0x8c: {  	s18 =	sshll.u32 s0, $0xA;
	s2 =	sadd.s32 s3, s2  }
0x8d: {  	s2 =	sadd.s32 s2, s18  }
0x8e: {  	[smem:$0x3FC5] =	sst s2  }
0x8f: {  	_ = 	snop  }
0x90: {  	s2 =	sld [smem:$0x3FC9]  }
0x91: {  	s19 =	sld [smem:$0x3FC8]  }
0x92: {  	s4 =	sld [smem:$0x3FC7]  }
0x93: {  	s5 =	sld [smem:$0x3FD0];
	(tm) =	ssettm $0x1  }
0x94: {  	s6 =	sld [smem:$0x3FFB];
	_ =	sdelay $0x3  }
0x95: {  	_ =	strace s6  }
0x96: {  	s6 =	sld [smem:$0x3FFC];
	_ =	sdelay $0x3  }
0x97: {  	_ =	strace s6  }
0x98: {  	s6 =	sld [smem:$0x3FFD];
	_ =	sdelay $0x3  }
0x99: {  	_ =	strace s6  }
0x9a: {  	_ =	strace $0x8FFFFFFF  }
0x9b: {  	s20 =	sld [smem:$0x3FDB];
	_ =	sdelay $0x1  }
0x9c: {  	s7 =	simm.s32 $_scs_section_size  }
0x9d: {  	s8 =	simm.s32 $_size__tile_overlayer_lowered;
	s9 =	simm.s32 $_tile_overlayer_lowered  }
0x9e: {  	s23 =	simm.s32 $0x1BFF;
	s22 =	sshll.u32 s9, $0x1;
	s6 =	sadd.s32 s7, s20  }
0x9f: {  	s10 =	simm.s32 $0x0;
	s21 =	sshll.u32 s8, $0x1;
	s8 =	sadd.s32 s22, s6  }
0xa0: {  	[timem:s10], [sflag:s23] =	dma.local [hbm:s8], s21  }
0xa1: {  	_ =	swait.ge [sflag:s23], s21  }
0xa2: {  	s7 =	ssub.s32 $0x0, s21;
	[sflag:s23] =	ssyncset.done $0x0  }
0xa3: {  	[sflag:s23] =	ssyncadd.s32 s7;
	_ =	sdelay $0x1  }
0xa4: {  	s24 =	simm.s32 $0x1B8B  }
0xa5: {  	_ =	swait.ge [sflag:s24], $0x1  }
0xa6: {  	[sflag:s24] =	ssyncset.done $0x0  }
0xa7: {  	s25 =	simm.s32 $0x1B8E;
	[sflag:s24] =	ssyncadd.s32 $0xFFFFFFFF  }
0xa8: {  	s26 =	simm.s32 $execute0_lowered;
	[smem:$0x3FD2] =	sst s25  }
0xa9: {  	s7 =	sshll.u32 s26, $0x1;
	_ =	strace $0x80000046;
	[dreg:$0x1] =	wrdreg $0xFFFFFFFF  }
0xaa: {  	s28 =	simm.s32 $_size_execute0_lowered;
	s6 =	sadd.s32 s6, s7;
	[dreg:$0x0] =	wrdreg $0x0  }
0xab: {  	s7 =	sshll.u32 s28, $0x1;
	[dreg:$0x2] =	wrdreg s6  }
0xac: {  	[dreg:$0x3] =	wrdreg s7  }
0xad: {  	[dreg:$0x4] =	wrdreg $0xC0  }
0xae: {  	_ =	task [dreg:s10], $0x5FFFF  }
0xaf: {  	[dreg:$0x1] =	wrdreg $0xFFFFFFFF  }
0xb0: {  	[dreg:$0x0] =	wrdreg $0x60  }
0xb1: {  	[dreg:$0x2] =	wrdreg s2  }
0xb2: {  	[dreg:$0x3] =	wrdreg s4  }
0xb3: {  	[dreg:$0x4] =	wrdreg s19  }
0xb4: {  	[dreg:$0x5] =	wrdreg s5  }
0xb5: {  	[dreg:$0x6] =	wrdreg $0x9  }
0xb6: {  	_ =	task.clear_ibuf [dreg:s10], $0x7FFFF;
	_ =	strace $0x90000046  }
0xb7: {  	s29 =	simm.s32 $0x9;
	_ =	strace $0x80000048  }
0xb8: {  	_ =	swait.ge [sflag:s29], $0x1  }
0xb9: {  	[sflag:s29] =	ssyncadd.s32 $0xFFFFFFFF  }
0xba: {  	_ =	strace $0x90000048  }
0xbb: {  	_ =	sfence  }
0xbc: {  	s30 =	sld [smem:$0x0];
	_ =	sdelay $0x2  }
0xbd: {  	s31 =	sshll.u32 s1, $0xD;
	s1 =	sshrl.u32 s1, $0x2  }
0xbe: {  	s3 =	sand.u32 $0x4000, s31;
	s1 =	sadd.s32 s1, s30  }
0xbf: {  	s0 =	sor.u32 s3, s0;
	s1 =	sshll.u32 s1, $0x11  }
0xc0: {  	s0 =	sor.u32 s1, s0  }
0xc1: {  	s0 =	sadd.s32 $0x8F2B, s0  }
0xc2: {  	[sflag:s0] =	ssyncadd.remote.s32 $0x1  }
0xc3: {  	_ =	sfence.sel $0xFFFF  }
0xc4: {  	[dreg:$0x0] =	wrdreg $0xFFFFFFFF;
	(pc) =	sbr.abs _section_cstart, $3  }
0xc5: {  	[dreg:$0x1] =	wrdreg $0xFFFFFFFF  }
0xc6: {  	_ =	task.clear_ibuf [dreg:s10], $0x2FFFF;
	_ =	strace $0x9FFFFFFF  }
0xc7: {  	(tm) =	ssettm $0x7FFFFFFF  }
tec
execute0_lowered:
.L_overlay_start_1:
0x0: {  	(tag) =	ssettag $0x1  }
0x1: {  	s5 =	rddreg [dreg:$0x0]  }
0x2: {  	s1 =	rddreg [dreg:$0x1]  }
0x3: {  	s2 =	rddreg [dreg:$0x2]  }
0x4: {  	s6 =	rddreg [dreg:$0x3]  }
0x5: {  	s0 =	rddreg [dreg:$0x4]  }
0x6: {  	s4 =	simm.s32 $0x0;
	s7 =	srdreg.scid;
	s3 =	stileid.u32  }
0x7: {  	s11 =	simm.s32 $0x3;
	s12 =	simm.s32 $0x1;
	s13 =	simm.s32 $0x580  }
0x8: {  	s14 =	simm.s32 $0x4;
	s15 =	simm.s32 $0x0;
	s7 =	sand.u32 $0x1, s7  }
0x9: {  	[smem:$0x7FF] =	sst s4;
	s8 =	sshll.u32 s3, $0x1;
	s9 =	ssub.s32 $0x2, s7  }
0xa: {  	_ =	strace $0x80000047;
	s7 =	sor.u32 s7, s8;
	s31 =	sshrl.u32 s9, $0x1  }
0xb: {  	s10 =	sshll.u32 s7, $0x7;
	s7 =	sshll.u32 s7, $0x8;
	s8 =	ssub.s32 s9, s31  }
0xc: {  	s5 =	sadd.s32 s5, s10;
	s6 =	sadd.s32 s6, s7;
	s9 =	simm.s32 $0x500  }
0xd: {  	s10 =	simm.s32 $0x2;
	s7 =	smax.u32 s8, $0x1;
	s8 =	simm.s32 $0x400  }
.LBB2_1:
0xe: {  	[tilespmem:s4], [sflag:$0x1] =	stream.linear.gather [hbm4b:s5+s4], $0x400, $0x38;
	[tilespmem:$0xD80] =	vst v63  }
0xf: {  	_ = 	snop  }
0x10: {  	[tilespmem:s8], [sflag:$0x2] =	stream.linear.gather [hbm4b:s1+s4], $0x100, $0x38;
	[tilespmem:$0xD80] =	vst v63  }
0x11: {  	_ = 	snop  }
0x12: {  	[tilespmem:s9], [sflag:$0x3] =	stream.linear.gather [hbm4b:s2+s4], $0x80, $0x38;
	[tilespmem:$0xD80] =	vst v63  }
0x13: {  	_ =	swait.ge [sflag:s10], $0x100  }
0x14: {  	[sflag:s10] =	ssyncset.done $0x0  }
0x15: {  	[sflag:s10] =	ssyncadd.s32 $0xFFFFFF00  }
0x16: {  	_ =	swait.ge [sflag:s11], $0x80  }
0x17: {  	[sflag:s11] =	ssyncset.done $0x0  }
0x18: {  	[sflag:s11] =	ssyncadd.s32 $0xFFFFFF80  }
0x19: {  	s18 =	sand.u32 $0x60, s4;
	s16 =	simm.s32 $0x0;
	_ =	swait.ge [sflag:s12], $0x400  }
0x1a: {  	s16 =	sand.u32 $0x3FFFFF00, s16;
	s22 =	sor.u32 $0x10, s18;
	[sflag:s12] =	ssyncset.done $0x0  }
0x1b: {  	s21 =	sor.u32 s22, s16;
	[sflag:s12] =	ssyncadd.s32 $0xFFFFFC00  }
0x1c: {  	v0 =	vld [tilespmem:s21+$0x0];
	_ =	sdelay $0x1  }
0x1d: {  	s17 =	sor.u32 s18, s16  }
0x1e: {  	v6 =	vld [tilespmem:s17+$0x0];
	_ =	sdelay $0x1  }
0x1f: {  	s19 =	simm.s32 $0x20;
	s20 =	simm.s32 $0x40;
	v2 =	vadd.s32 $0x80, v0  }
0x20: {  	s23 =	sand.u32 $0x3FFFFF00, s20;
	s16 =	sand.u32 $0x60, s19;
	v1 =	vld [tilespmem:s17+$0x80]  }
0x21: {  	s30 =	sor.u32 s16, s23;
	s17 =	sor.u32 $0x10, s16;
	v4 =	vld [tilespmem:s21+$0x80]  }
0x22: {  	v5 =	vld [tilespmem:s30+$0x0];
	s20 =	sor.u32 s17, s23;
	v7 =	vadd.s32 $0x80, v6  }
0x23: {  	v3 =	vld [tilespmem:s20+$0x0]  }
0x24: {  	v8 =	vld.idx.msk [tilespmem:v2+s8+$0x0], $0xffff  }
0x25: {  	s31 =	simm.s32 $0x0;
	v2 =	vld [tilespmem:s30+$0x80]  }
0x26: {  	s21 =	sand.u32 $0x3FFFFE00, s31;
	v6 =	vld.idx.msk [tilespmem:v6+s8+$0x0], $0xffff  }
0x27: {  	s23 =	simm.s32 $0x2;
	s24 =	sadd.s32 $0x580, s21;
	s21 =	simm.s32 $0x2;
	v7 =	vld.idx.msk [tilespmem:v7+s8+$0x0], $0xffff  }
.LBB2_2:
0x28: {  	s23 =	sadd.s32 $0x2, s23;
	v9 =	vadd.s32 $0x80, v3;
	s19 =	sadd.s32 $0x20, s19;
	v10 =	vld.idx.msk [tilespmem:v0+s8+$0x0], $0xffff;
	s25 =	sor.u32 s22, s24;
	v0 =	vmov v3  }
0x29: {  	s24 =	sor.u32 s18, s24;
	s22 =	sand.u32 $0x60, s19;
	s26 =	sshll.u32 s23, $0x5;
	v11 =	vadd.s32 $0x80, v5;
	v12 =	vld.idx.msk [tilespmem:v4+s9+$0x0], $0xffff;
	[tilespmem:s25+$0x80] =	vst v8;
	v13 =	vmov v5  }
0x2a: {  	p0 =	slt.u32 s23, $0x1E;
	s18 =	sand.u32 $0x3FFFFF00, s26;
	s26 =	sor.u32 $0x10, s22;
	v14 =	vld.idx.msk [tilespmem:v1+s9+$0x0], $0xffff;
	v1 =	vmov v2  }
0x2b: {  	s28 =	sor.u32 s22, s18;
	v4 =	vld [tilespmem:s20+$0x80];
	s20 =	sor.u32 s26, s18;
	s18 =	smov.u32 s16  }
0x2c: {  	s16 =	smov.u32 s22;
	s22 =	smov.u32 s17;
	s17 =	smov.u32 s26;
	v3 =	vld [tilespmem:s20+$0x0];
	[tilespmem:s24+$0x80] =	vst v7  }
.Ltmp0:
0x2d: {  	v8 =	vld.idx.msk [tilespmem:v9+s8+$0x0], $0xffff;
	[tilespmem:s24+$0x0] =	vst v6;
	(pc) =	sbr.rel @p0 .LBB2_2-.Ltmp0, $4  }
0x2e: {  	v5 =	vld [tilespmem:s28+$0x0];
	[tilespmem:s25+$0x0] =	vst v10  }
0x2f: {  	s26 =	sshll.u32 s21, $0x6;
	s21 =	smov.u32 s23;
	v2 =	vld [tilespmem:s28+$0x80];
	[tilespmem:s25+$0x100] =	vst v12  }
0x30: {  	s25 =	sand.u32 $0x3FFFFE00, s26;
	v7 =	vld.idx.msk [tilespmem:v11+s8+$0x0], $0xffff;
	[tilespmem:s24+$0x100] =	vst v14  }
0x31: {  	s24 =	sadd.s32 $0x580, s25;
	v6 =	vld.idx.msk [tilespmem:v13+s8+$0x0], $0xffff  }
0x32: {  	_ =	sdelay $0x2  }
0x33: {  	v11 =	vld [tilespmem:s20+$0x80]  }
0x34: {  	v0 =	vld.idx.msk [tilespmem:v0+s8+$0x0], $0xffff  }
0x35: {  	v9 =	vadd.s32 $0x80, v3;
	s19 =	sor.u32 s22, s24;
	v4 =	vld.idx.msk [tilespmem:v4+s9+$0x0], $0xffff  }
0x36: {  	s18 =	sor.u32 s18, s24;
	v1 =	vld.idx.msk [tilespmem:v1+s9+$0x0], $0xffff;
	v10 =	vadd.s32 $0x80, v5;
	[tilespmem:s19+$0x80] =	vst v8  }
0x37: {  	v61 =	vld.idx.msk [tilespmem:v5+s8+$0x0], $0xffff;
	[tilespmem:s18+$0x80] =	vst v7  }
0x38: {  	s30 =	sshll.u32 s21, $0x6;
	v2 =	vld.idx.msk [tilespmem:v2+s9+$0x0], $0xffff;
	[tilespmem:s18+$0x0] =	vst v6  }
0x39: {  	v62 =	vld.idx.msk [tilespmem:v3+s8+$0x0], $0xffff;
	s20 =	sand.u32 $0x3FFFFE00, s30;
	[tilespmem:s19+$0x0] =	vst v0  }
0x3a: {  	s31 =	sadd.s32 $0x580, s20;
	v59 =	vld.idx.msk [tilespmem:v9+s8+$0x0], $0xffff;
	[tilespmem:s19+$0x100] =	vst v4  }
0x3b: {  	s16 =	sor.u32 s16, s31;
	[tilespmem:s18+$0x100] =	vst v1;
	v60 =	vld.idx.msk [tilespmem:v10+s8+$0x0], $0xffff  }
0x3c: {  	[tilespmem:s16+$0x0] =	vst v61;
	v63 =	vld.idx.msk [tilespmem:v11+s9+$0x0], $0xffff  }
0x3d: {  	s17 =	sor.u32 s17, s31;
	[tilespmem:s16+$0x100] =	vst v2  }
0x3e: {  	[tilespmem:s17+$0x0] =	vst v62  }
0x3f: {  	s15 =	sadd.s32 $0x1, s15;
	[tilespmem:s17+$0x80] =	vst v59  }
0x40: {  	p0 =	sne.s32 s15, s7;
	[tilespmem:s16+$0x80] =	vst v60  }
.Ltmp1:
0x41: {  	[tilespmem:s17+$0x100] =	vst v63;
	(pc) =	sbr.rel @p0 .LBB2_1-.Ltmp1, $4  }
0x42: {  	[hbm4b:s6+s4] =	stream.linear.scatter [tilespmem:s13], [sflag:$0x4], $0x800, $0x38;
	[tilespmem:$0xD80] =	vst v63  }
0x43: {  	_ =	swait.ge [sflag:s14], $0x800  }
0x44: {  	[sflag:s14] =	ssyncset.done $0x0  }
0x45: {  	[sflag:s14] =	ssyncadd.s32 $0xFFFFF800  }
0x46: {  	_ =	sfence.sel $0x180000  }
0x47: {  	[bflag:$0x0] =	sbarrier.arrive $0xFFFF  }
0x48: {  	p0 =	sne.s32 s3, $0x0;
	_ =	strace $0x90000047  }
0x49: {  	s0 =	sadd.s32 @!p0 $0x100000, s0;
	[bflag:$0x2] =	sbarrier.arrive $0xFFFF  }
0x4a: {  	[sflag:s0] =	ssyncadd.tile.s32 @!p0 $0x1;
	_ =	shalt  }
.Lfunc_end2:
_tile_overlayer_lowered:
.L_overlay_start_2:
0x4b: {  	(tag) =	ssettag $0x2  }
0x4c: {  	s0 =	rddreg [dreg:$0x0];
	s2 =	stileid.u32  }
0x4d: {  	s1 =	rddreg [dreg:$0x1];
	p0 =	sne.s32 s2, $0x0  }
0x4e: {  	s3 =	rddreg [dreg:$0x2];
	[bflag:$0x3] =	sbarrier.arrive $0xFFFF;
	s2 =	simm.s32 @!p0 $0x1C04  }
0x4f: {  	[timem:s3], [sflag:s2] =	dma.local @!p0 [hbm:s0], s1  }
0x50: {  	s0 =	simm.s32 @!p0 $0x4  }
0x51: {  	_ =	swait.ge @!p0 [sflag:s0], s1  }
0x52: {  	s1 =	ssub.s32 @!p0 $0x0, s1;
	[sflag:s0] =	ssyncset.done @!p0 $0x0  }
0x53: {  	[sflag:s0] =	ssyncadd.s32 @!p0 s1  }
0x54: {  	[bflag:$0x3] =	sbarrier.arrive $0xFFFF  }
0x55: {  	_ =	shalt  }

</sc_bundles>
